<compile_context>
chip_gen: v7x
topology: tpu7x:2x2x1
jax: 0.10.2.dev20260603
libtpu: 0.0.44.dev20260713+nightly
codegen_flags: <defaults>
</compile_context>

<pallas_src>
import functools

import jax
import jax.numpy as jnp
from jax import lax
from jax.experimental import pallas as pl
from jax.experimental.pallas import tpu as pltpu
from jax.experimental.pallas import tpu_sc as plsc

B = 64
N = 1_000_000
K = 5
BLK = 16384
NB = -(-N // BLK)
NC = 2
LANES = 16


def _sc_gather_body(logits_hbm, tgt_hbm, out_hbm, tgt_v, row_v, outv_v, sem):
    c = lax.axis_index("c")
    s = lax.axis_index("s")
    w = s * NC + c
    pltpu.sync_copy(tgt_hbm, tgt_v)
    iota = lax.iota(jnp.int32, LANES)
    for rlocal in range(2):
        r = w * 2 + rlocal
        t = tgt_v[r][0]
        c0 = (t // LANES) * LANES
        pltpu.sync_copy(logits_hbm.at[r, pl.ds(c0, LANES)], row_v)
        outv_v[...] = jnp.where(iota == t - c0, row_v[...], -jnp.inf)
        pltpu.sync_copy(outv_v, out_hbm.at[r])


def _count_fast_body(tv16_ref, x_ref, flag_ref, tv_ref, sgt_ref):
    j = pl.program_id(0)

    @pl.when(j == 0)
    def _init():
        sgt_ref[...] = jnp.zeros_like(sgt_ref)
        tv_ref[...] = jnp.max(tv16_ref[...], axis=1, keepdims=True)

    x = x_ref[...]
    tv = tv_ref[...]

    @pl.when(j < NB - 1)
    def _mid():
        gt = (x > tv).astype(jnp.float32)
        sgt_ref[...] += jnp.sum(gt, axis=1, keepdims=True)

    @pl.when(j == NB - 1)
    def _last():
        iota = lax.broadcasted_iota(jnp.int32, (B, BLK), 1)
        valid = iota < (N - j * BLK)
        gt = ((x > tv) & valid).astype(jnp.float32)
        cnt_gt = sgt_ref[...] + jnp.sum(gt, axis=1, keepdims=True)
        maybe_hit = (cnt_gt < K).astype(jnp.float32)
        flag_ref[...] = jnp.max(maybe_hit).reshape(1, 1)


def _count_exact_body(tv_ref, tvm_ref, tgt_ref, x_ref, out_ref, acc_ref):
    j = pl.program_id(0)

    @pl.when(j == 0)
    def _init():
        acc_ref[...] = jnp.zeros_like(acc_ref)

    x = x_ref[...]
    tv = tv_ref[...]
    tvm = tvm_ref[...]
    tb = tgt_ref[...] - j * BLK
    iota = lax.broadcasted_iota(jnp.int32, (B, BLK), 1)
    thr = jnp.where(iota < tb, tvm, tv)

    @pl.when(j < NB - 1)
    def _mid():
        beats = (x > thr).astype(jnp.float32)
        acc_ref[...] += jnp.sum(beats, axis=1, keepdims=True)

    @pl.when(j == NB - 1)
    def _last():
        thr2 = jnp.where(iota < (N - j * BLK), thr, jnp.inf)
        beats = (x > thr2).astype(jnp.float32)
        counts = acc_ref[...] + jnp.sum(beats, axis=1, keepdims=True)
        hits = (counts < K).astype(jnp.float32)
        out_ref[...] = (jnp.sum(hits) * (1.0 / B)).reshape(1, 1)


def kernel(logits, target):
    tgt = target.astype(jnp.int32)

    sc_gather = functools.partial(
        pl.kernel,
        mesh=plsc.VectorSubcoreMesh(core_axis_name="c", subcore_axis_name="s"),
        out_type=jax.ShapeDtypeStruct((B, LANES), jnp.float32),
        scratch_types=[
            pltpu.VMEM((B, LANES), jnp.int32),
            pltpu.VMEM((LANES,), jnp.float32),
            pltpu.VMEM((LANES,), jnp.float32),
            pltpu.SemaphoreType.DMA,
        ],
    )(_sc_gather_body)
    tv16 = sc_gather(logits, jnp.broadcast_to(tgt[:, None], (B, LANES)))

    flag = pl.pallas_call(
        _count_fast_body,
        grid=(NB,),
        in_specs=[
            pl.BlockSpec((B, LANES), lambda j: (0, 0)),
            pl.BlockSpec((B, BLK), lambda j: (0, j)),
        ],
        out_specs=pl.BlockSpec((1, 1), lambda j: (0, 0)),
        out_shape=jax.ShapeDtypeStruct((1, 1), jnp.float32),
        scratch_shapes=[
            pltpu.VMEM((B, 1), jnp.float32),
            pltpu.VMEM((B, 1), jnp.float32),
        ],
    )(tv16, logits)

    def _exact(_):
        tv = jnp.max(tv16, axis=1, keepdims=True)
        tvm = jnp.nextafter(tv, jnp.float32(-jnp.inf))
        acc = pl.pallas_call(
            _count_exact_body,
            grid=(NB,),
            in_specs=[
                pl.BlockSpec((B, 1), lambda j: (0, 0)),
                pl.BlockSpec((B, 1), lambda j: (0, 0)),
                pl.BlockSpec((B, 1), lambda j: (0, 0)),
                pl.BlockSpec((B, BLK), lambda j: (0, j)),
            ],
            out_specs=pl.BlockSpec((1, 1), lambda j: (0, 0)),
            out_shape=jax.ShapeDtypeStruct((1, 1), jnp.float32),
            scratch_shapes=[pltpu.VMEM((B, 1), jnp.float32)],
        )(tv, tvm, tgt.reshape(B, 1), logits)
        return acc[0, 0]

    return lax.cond(flag[0, 0] > 0, _exact, lambda _: jnp.float32(0.0), None)

# --- scband reference (transcript-rebuilt; emitter-appended) ---
"""Pipeline reference for scband-top-kacc-69810398429387 (READ-ONLY COPY).

The authoritative reference and input builder live on the scoring server;
editing this copy changes nothing except your own understanding.
"""

import jax, jax.numpy as jnp
import numpy as np

K = 5

def setup_inputs(seed: int = 0) -> dict:
    key = jax.random.key(seed)
    k1, k2 = jax.random.split(key)
    logits = jax.random.normal(k1, (64, 1000000), dtype=jnp.float32)
    target = jax.random.randint(k2, (64,), 0, 1000000, dtype=jnp.int64)
    return {"logits": logits, "target": target}

def reference(logits, target):
    # pred = torch.topk(logits, k, dim=1)[1]
    _, pred = jax.lax.top_k(logits, K)  # [B, K] indices
    # correct = sum over i of (pred[:, i] == target)
    correct = jnp.sum((pred == target[:, None]).astype(jnp.float32))
    acc = correct / target.shape[0]
    return acc

if __name__ == "__main__":
    import jax
    _d = setup_inputs()
    print(jax.jit(kernel)(*tuple(_d.values())))

</pallas_src>

<mosaic_0001>
#map = affine_map<(d0, d1) -> (0, 0)>
module attributes {stable_mosaic.version = 14 : i64} {
  func.func @_sc_gather_body(%arg0: i32, %arg1: i32, %arg2: memref<64x1000000xf32, #tpu.memory_space<hbm>>, %arg3: memref<64x16xi32, #tpu.memory_space<hbm>>, %arg4: memref<64x16xf32, #tpu.memory_space<hbm>>, %arg5: memref<64x16xi32, #tpu.memory_space<vmem>>, %arg6: memref<16xf32, #tpu.memory_space<vmem>>, %arg7: memref<16xf32, #tpu.memory_space<vmem>>, %arg8: memref<!tpu.dma_semaphore, #tpu.memory_space<semaphore_mem>>) attributes {dimension_semantics = [#tpu.dimension_semantics<core_parallel>, #tpu.dimension_semantics<subcore_parallel>], iteration_bounds = array<i64: 2, 16>, scalar_prefetch = 0 : i64, scratch_operands = 4 : i64, tpu.core_type = #tpu.core_type<sc_vector_subcore>, window_params = [{transform_indices = #map}, {transform_indices = #map}, {transform_indices = #map}]} {
    %mul3A = arith.constant 2 : i32
    %mul3A_0 = arith.muli %arg1, %mul3A : i32
    %add3A = arith.addi %mul3A_0, %arg0 : i32
    "tpu.region"() ({
      %run_scoped3A = tpu.sem_alloc : memref<!tpu.dma_semaphore, #tpu.memory_space<semaphore_mem>>
      tpu.enqueue_dma source(%arg3 : memref<64x16xi32, #tpu.memory_space<hbm>>) target(%arg5 : memref<64x16xi32, #tpu.memory_space<vmem>>) target_semaphore(%run_scoped3A : memref<!tpu.dma_semaphore, #tpu.memory_space<semaphore_mem>>)
      tpu.wait_dma2 semaphore(%run_scoped3A : memref<!tpu.dma_semaphore, #tpu.memory_space<semaphore_mem>>) src(%arg3 : memref<64x16xi32, #tpu.memory_space<hbm>>) dst(%arg5 : memref<64x16xi32, #tpu.memory_space<vmem>>)
      tpu.yield
    }) : () -> ()
    %iota3A = tpu.iota {dimensions = array<i32: 0>} : vector<16xi32>
    %mul3A_1 = arith.constant 2 : i32
    %mul3A_2 = arith.muli %add3A, %mul3A_1 : i32
    %add3A_3 = arith.constant 0 : i32
    %add3A_4 = arith.addi %mul3A_2, %add3A_3 : i32
    %get3A = arith.index_cast %add3A_4 : i32 to index
    %get3A_5 = arith.constant 0 : index
    %get3A_6 = tpu.vector_load %arg5[%get3A, %get3A_5] {strides = array<i32>} : memref<64x16xi32, #tpu.memory_space<vmem>>, vector<1x16xi32>,
    %get3A_7 = vector.shape_cast %get3A_6 : vector<1x16xi32> to vector<16xi32>
    %slice3A = vector.extract_strided_slice %get3A_7 {offsets = [0], sizes = [1], strides = [1]} : vector<16xi32> to vector<1xi32>
    %squeeze3A = vector.extract %slice3A[0] : i32 from vector<1xi32>
    %jit3A = arith.constant 16 : i32
    %div3A = arith.divsi %squeeze3A, %jit3A : i32
    %sign3A = arith.constant 0 : i32
    %sign3A_8 = arith.cmpi sgt, %squeeze3A, %sign3A : i32
    %sign3A_9 = arith.extui %sign3A_8 : i1 to i32
    %sign3A_10 = arith.constant 0 : i32
    %sign3A_11 = arith.cmpi slt, %squeeze3A, %sign3A_10 : i32
    %sign3A_12 = arith.extui %sign3A_11 : i1 to i32
    %sign3A_13 = arith.subi %sign3A_9, %sign3A_12 : i32
    %sign3A_14 = arith.constant 0 : i32
    %sign3A_15 = arith.cmpi sgt, %jit3A, %sign3A_14 : i32
    %sign3A_16 = arith.extui %sign3A_15 : i1 to i32
    %sign3A_17 = arith.constant 0 : i32
    %sign3A_18 = arith.cmpi slt, %jit3A, %sign3A_17 : i32
    %sign3A_19 = arith.extui %sign3A_18 : i1 to i32
    %sign3A_20 = arith.subi %sign3A_16, %sign3A_19 : i32
    %ne3A = arith.cmpi ne, %sign3A_13, %sign3A_20 : i32
    %rem3A = arith.remsi %squeeze3A, %jit3A : i32
    %ne3A_21 = arith.constant 0 : i32
    %ne3A_22 = arith.cmpi ne, %rem3A, %ne3A_21 : i32
    %and3A = arith.andi %ne3A, %ne3A_22 : i1
    %sub3A = arith.constant 1 : i32
    %sub3A_23 = arith.subi %div3A, %sub3A : i32
    %select_n3A = arith.select %and3A, %sub3A_23, %div3A : i32
    %mul3A_24 = arith.constant 16 : i32
    %mul3A_25 = arith.muli %select_n3A, %mul3A_24 : i32
    "tpu.region"() ({
      %run_scoped3A = tpu.sem_alloc : memref<!tpu.dma_semaphore, #tpu.memory_space<semaphore_mem>>
      %dma_start3A = tpu.memref_slice %arg2[%add3A_4, %mul3A_25] : memref<64x1000000xf32, #tpu.memory_space<hbm>> -> memref<1x16xf32, #tpu.memory_space<hbm>>
      %dma_start3A_85 = tpu.memref_squeeze %dma_start3A : memref<1x16xf32, #tpu.memory_space<hbm>> -> memref<16xf32, #tpu.memory_space<hbm>>
      %dma_start3A_86 = tpu.memref_slice %arg2[%add3A_4, %mul3A_25] : memref<64x1000000xf32, #tpu.memory_space<hbm>> -> memref<1x16xf32, #tpu.memory_space<hbm>>
      %dma_start3A_87 = tpu.memref_squeeze %dma_start3A_86 : memref<1x16xf32, #tpu.memory_space<hbm>> -> memref<16xf32, #tpu.memory_space<hbm>>
      tpu.enqueue_dma source(%dma_start3A_87 : memref<16xf32, #tpu.memory_space<hbm>>) target(%arg6 : memref<16xf32, #tpu.memory_space<vmem>>) target_semaphore(%run_scoped3A : memref<!tpu.dma_semaphore, #tpu.memory_space<semaphore_mem>>)
      %dma_wait3A = tpu.memref_slice %arg2[%add3A_4, %mul3A_25] : memref<64x1000000xf32, #tpu.memory_space<hbm>> -> memref<1x16xf32, #tpu.memory_space<hbm>>
      %dma_wait3A_88 = tpu.memref_squeeze %dma_wait3A : memref<1x16xf32, #tpu.memory_space<hbm>> -> memref<16xf32, #tpu.memory_space<hbm>>
      %dma_wait3A_89 = tpu.memref_slice %arg2[%add3A_4, %mul3A_25] : memref<64x1000000xf32, #tpu.memory_space<hbm>> -> memref<1x16xf32, #tpu.memory_space<hbm>>
      %dma_wait3A_90 = tpu.memref_squeeze %dma_wait3A_89 : memref<1x16xf32, #tpu.memory_space<hbm>> -> memref<16xf32, #tpu.memory_space<hbm>>
      tpu.wait_dma2 semaphore(%run_scoped3A : memref<!tpu.dma_semaphore, #tpu.memory_space<semaphore_mem>>) src(%dma_wait3A_90 : memref<16xf32, #tpu.memory_space<hbm>>) dst(%arg6 : memref<16xf32, #tpu.memory_space<vmem>>)
      tpu.yield
    }) : () -> ()
    %sub3A_26 = arith.subi %squeeze3A, %mul3A_25 : i32
    %eq3A = vector.broadcast %sub3A_26 : i32 to vector<16xi32>
    %eq3A_27 = arith.cmpi eq, %iota3A, %eq3A : vector<16xi32>
    %get3A_28 = arith.constant 0 : index
    %get3A_29 = tpu.vector_load %arg6[%get3A_28] {strides = array<i32>} : memref<16xf32, #tpu.memory_space<vmem>>, vector<16xf32>,
    %get3A_30 = vector.shape_cast %get3A_29 : vector<16xf32> to vector<16xf32>
    %jit3A_31 = arith.constant 0xFF800000 : f32
    %broadcast_in_dim3A = vector.broadcast %jit3A_31 : f32 to vector<16xf32>
    %select_n3A_32 = arith.select %eq3A_27, %get3A_30, %broadcast_in_dim3A : vector<16xi1>, vector<16xf32>
    %swap3A = arith.constant 0 : index
    %swap3A_33 = tpu.vector_load %arg7[%swap3A] {strides = array<i32>} : memref<16xf32, #tpu.memory_space<vmem>>, vector<16xf32>,
    %swap3A_34 = vector.shape_cast %swap3A_33 : vector<16xf32> to vector<16xf32>
    %swap3A_35 = vector.shape_cast %select_n3A_32 : vector<16xf32> to vector<16xf32>
    tpu.vector_store %arg7[%swap3A], %swap3A_35 {strides = array<i32>} : memref<16xf32, #tpu.memory_space<vmem>>, vector<16xf32>,
    "tpu.region"() ({
      %run_scoped3A = tpu.sem_alloc : memref<!tpu.dma_semaphore, #tpu.memory_space<semaphore_mem>>
      %dma_start3A = arith.constant 0 : i32
      %dma_start3A_85 = tpu.memref_slice %arg4[%add3A_4, %dma_start3A] : memref<64x16xf32, #tpu.memory_space<hbm>> -> memref<1x16xf32, #tpu.memory_space<hbm>>
      %dma_start3A_86 = tpu.memref_squeeze %dma_start3A_85 : memref<1x16xf32, #tpu.memory_space<hbm>> -> memref<16xf32, #tpu.memory_space<hbm>>
      %dma_start3A_87 = arith.constant 0 : i32
      %dma_start3A_88 = tpu.memref_slice %arg4[%add3A_4, %dma_start3A_87] : memref<64x16xf32, #tpu.memory_space<hbm>> -> memref<1x16xf32, #tpu.memory_space<hbm>>
      %dma_start3A_89 = tpu.memref_squeeze %dma_start3A_88 : memref<1x16xf32, #tpu.memory_space<hbm>> -> memref<16xf32, #tpu.memory_space<hbm>>
      tpu.enqueue_dma source(%arg7 : memref<16xf32, #tpu.memory_space<vmem>>) target(%dma_start3A_89 : memref<16xf32, #tpu.memory_space<hbm>>) target_semaphore(%run_scoped3A : memref<!tpu.dma_semaphore, #tpu.memory_space<semaphore_mem>>)
      %dma_wait3A = arith.constant 0 : i32
      %dma_wait3A_90 = tpu.memref_slice %arg4[%add3A_4, %dma_wait3A] : memref<64x16xf32, #tpu.memory_space<hbm>> -> memref<1x16xf32, #tpu.memory_space<hbm>>
      %dma_wait3A_91 = tpu.memref_squeeze %dma_wait3A_90 : memref<1x16xf32, #tpu.memory_space<hbm>> -> memref<16xf32, #tpu.memory_space<hbm>>
      %dma_wait3A_92 = arith.constant 0 : i32
      %dma_wait3A_93 = tpu.memref_slice %arg4[%add3A_4, %dma_wait3A_92] : memref<64x16xf32, #tpu.memory_space<hbm>> -> memref<1x16xf32, #tpu.memory_space<hbm>>
      %dma_wait3A_94 = tpu.memref_squeeze %dma_wait3A_93 : memref<1x16xf32, #tpu.memory_space<hbm>> -> memref<16xf32, #tpu.memory_space<hbm>>
      tpu.wait_dma2 semaphore(%run_scoped3A : memref<!tpu.dma_semaphore, #tpu.memory_space<semaphore_mem>>) src(%arg7 : memref<16xf32, #tpu.memory_space<vmem>>) dst(%dma_wait3A_94 : memref<16xf32, #tpu.memory_space<hbm>>)
      tpu.yield
    }) : () -> ()
    %mul3A_36 = arith.constant 2 : i32
    %mul3A_37 = arith.muli %add3A, %mul3A_36 : i32
    %add3A_38 = arith.constant 1 : i32
    %add3A_39 = arith.addi %mul3A_37, %add3A_38 : i32
    %get3A_40 = arith.index_cast %add3A_39 : i32 to index
    %get3A_41 = arith.constant 0 : index
    %get3A_42 = tpu.vector_load %arg5[%get3A_40, %get3A_41] {strides = array<i32>} : memref<64x16xi32, #tpu.memory_space<vmem>>, vector<1x16xi32>,
    %get3A_43 = vector.shape_cast %get3A_42 : vector<1x16xi32> to vector<16xi32>
    %slice3A_44 = vector.extract_strided_slice %get3A_43 {offsets = [0], sizes = [1], strides = [1]} : vector<16xi32> to vector<1xi32>
    %squeeze3A_45 = vector.extract %slice3A_44[0] : i32 from vector<1xi32>
    %jit3A_46 = arith.constant 16 : i32
    %div3A_47 = arith.divsi %squeeze3A_45, %jit3A_46 : i32
    %sign3A_48 = arith.constant 0 : i32
    %sign3A_49 = arith.cmpi sgt, %squeeze3A_45, %sign3A_48 : i32
    %sign3A_50 = arith.extui %sign3A_49 : i1 to i32
    %sign3A_51 = arith.constant 0 : i32
    %sign3A_52 = arith.cmpi slt, %squeeze3A_45, %sign3A_51 : i32
    %sign3A_53 = arith.extui %sign3A_52 : i1 to i32
    %sign3A_54 = arith.subi %sign3A_50, %sign3A_53 : i32
    %sign3A_55 = arith.constant 0 : i32
    %sign3A_56 = arith.cmpi sgt, %jit3A_46, %sign3A_55 : i32
    %sign3A_57 = arith.extui %sign3A_56 : i1 to i32
    %sign3A_58 = arith.constant 0 : i32
    %sign3A_59 = arith.cmpi slt, %jit3A_46, %sign3A_58 : i32
    %sign3A_60 = arith.extui %sign3A_59 : i1 to i32
    %sign3A_61 = arith.subi %sign3A_57, %sign3A_60 : i32
    %ne3A_62 = arith.cmpi ne, %sign3A_54, %sign3A_61 : i32
    %rem3A_63 = arith.remsi %squeeze3A_45, %jit3A_46 : i32
    %ne3A_64 = arith.constant 0 : i32
    %ne3A_65 = arith.cmpi ne, %rem3A_63, %ne3A_64 : i32
    %and3A_66 = arith.andi %ne3A_62, %ne3A_65 : i1
    %sub3A_67 = arith.constant 1 : i32
    %sub3A_68 = arith.subi %div3A_47, %sub3A_67 : i32
    %select_n3A_69 = arith.select %and3A_66, %sub3A_68, %div3A_47 : i32
    %mul3A_70 = arith.constant 16 : i32
    %mul3A_71 = arith.muli %select_n3A_69, %mul3A_70 : i32
    "tpu.region"() ({
      %run_scoped3A = tpu.sem_alloc : memref<!tpu.dma_semaphore, #tpu.memory_space<semaphore_mem>>
      %dma_start3A = tpu.memref_slice %arg2[%add3A_39, %mul3A_71] : memref<64x1000000xf32, #tpu.memory_space<hbm>> -> memref<1x16xf32, #tpu.memory_space<hbm>>
      %dma_start3A_85 = tpu.memref_squeeze %dma_start3A : memref<1x16xf32, #tpu.memory_space<hbm>> -> memref<16xf32, #tpu.memory_space<hbm>>
      %dma_start3A_86 = tpu.memref_slice %arg2[%add3A_39, %mul3A_71] : memref<64x1000000xf32, #tpu.memory_space<hbm>> -> memref<1x16xf32, #tpu.memory_space<hbm>>
      %dma_start3A_87 = tpu.memref_squeeze %dma_start3A_86 : memref<1x16xf32, #tpu.memory_space<hbm>> -> memref<16xf32, #tpu.memory_space<hbm>>
      tpu.enqueue_dma source(%dma_start3A_87 : memref<16xf32, #tpu.memory_space<hbm>>) target(%arg6 : memref<16xf32, #tpu.memory_space<vmem>>) target_semaphore(%run_scoped3A : memref<!tpu.dma_semaphore, #tpu.memory_space<semaphore_mem>>)
      %dma_wait3A = tpu.memref_slice %arg2[%add3A_39, %mul3A_71] : memref<64x1000000xf32, #tpu.memory_space<hbm>> -> memref<1x16xf32, #tpu.memory_space<hbm>>
      %dma_wait3A_88 = tpu.memref_squeeze %dma_wait3A : memref<1x16xf32, #tpu.memory_space<hbm>> -> memref<16xf32, #tpu.memory_space<hbm>>
      %dma_wait3A_89 = tpu.memref_slice %arg2[%add3A_39, %mul3A_71] : memref<64x1000000xf32, #tpu.memory_space<hbm>> -> memref<1x16xf32, #tpu.memory_space<hbm>>
      %dma_wait3A_90 = tpu.memref_squeeze %dma_wait3A_89 : memref<1x16xf32, #tpu.memory_space<hbm>> -> memref<16xf32, #tpu.memory_space<hbm>>
      tpu.wait_dma2 semaphore(%run_scoped3A : memref<!tpu.dma_semaphore, #tpu.memory_space<semaphore_mem>>) src(%dma_wait3A_90 : memref<16xf32, #tpu.memory_space<hbm>>) dst(%arg6 : memref<16xf32, #tpu.memory_space<vmem>>)
      tpu.yield
    }) : () -> ()
    %sub3A_72 = arith.subi %squeeze3A_45, %mul3A_71 : i32
    %eq3A_73 = vector.broadcast %sub3A_72 : i32 to vector<16xi32>
    %eq3A_74 = arith.cmpi eq, %iota3A, %eq3A_73 : vector<16xi32>
    %get3A_75 = arith.constant 0 : index
    %get3A_76 = tpu.vector_load %arg6[%get3A_75] {strides = array<i32>} : memref<16xf32, #tpu.memory_space<vmem>>, vector<16xf32>,
    %get3A_77 = vector.shape_cast %get3A_76 : vector<16xf32> to vector<16xf32>
    %jit3A_78 = arith.constant 0xFF800000 : f32
    %broadcast_in_dim3A_79 = vector.broadcast %jit3A_78 : f32 to vector<16xf32>
    %select_n3A_80 = arith.select %eq3A_74, %get3A_77, %broadcast_in_dim3A_79 : vector<16xi1>, vector<16xf32>
    %swap3A_81 = arith.constant 0 : index
    %swap3A_82 = tpu.vector_load %arg7[%swap3A_81] {strides = array<i32>} : memref<16xf32, #tpu.memory_space<vmem>>, vector<16xf32>,
    %swap3A_83 = vector.shape_cast %swap3A_82 : vector<16xf32> to vector<16xf32>
    %swap3A_84 = vector.shape_cast %select_n3A_80 : vector<16xf32> to vector<16xf32>
    tpu.vector_store %arg7[%swap3A_81], %swap3A_84 {strides = array<i32>} : memref<16xf32, #tpu.memory_space<vmem>>, vector<16xf32>,
    "tpu.region"() ({
      %run_scoped3A = tpu.sem_alloc : memref<!tpu.dma_semaphore, #tpu.memory_space<semaphore_mem>>
      %dma_start3A = arith.constant 0 : i32
      %dma_start3A_85 = tpu.memref_slice %arg4[%add3A_39, %dma_start3A] : memref<64x16xf32, #tpu.memory_space<hbm>> -> memref<1x16xf32, #tpu.memory_space<hbm>>
      %dma_start3A_86 = tpu.memref_squeeze %dma_start3A_85 : memref<1x16xf32, #tpu.memory_space<hbm>> -> memref<16xf32, #tpu.memory_space<hbm>>
      %dma_start3A_87 = arith.constant 0 : i32
      %dma_start3A_88 = tpu.memref_slice %arg4[%add3A_39, %dma_start3A_87] : memref<64x16xf32, #tpu.memory_space<hbm>> -> memref<1x16xf32, #tpu.memory_space<hbm>>
      %dma_start3A_89 = tpu.memref_squeeze %dma_start3A_88 : memref<1x16xf32, #tpu.memory_space<hbm>> -> memref<16xf32, #tpu.memory_space<hbm>>
      tpu.enqueue_dma source(%arg7 : memref<16xf32, #tpu.memory_space<vmem>>) target(%dma_start3A_89 : memref<16xf32, #tpu.memory_space<hbm>>) target_semaphore(%run_scoped3A : memref<!tpu.dma_semaphore, #tpu.memory_space<semaphore_mem>>)
      %dma_wait3A = arith.constant 0 : i32
      %dma_wait3A_90 = tpu.memref_slice %arg4[%add3A_39, %dma_wait3A] : memref<64x16xf32, #tpu.memory_space<hbm>> -> memref<1x16xf32, #tpu.memory_space<hbm>>
      %dma_wait3A_91 = tpu.memref_squeeze %dma_wait3A_90 : memref<1x16xf32, #tpu.memory_space<hbm>> -> memref<16xf32, #tpu.memory_space<hbm>>
      %dma_wait3A_92 = arith.constant 0 : i32
      %dma_wait3A_93 = tpu.memref_slice %arg4[%add3A_39, %dma_wait3A_92] : memref<64x16xf32, #tpu.memory_space<hbm>> -> memref<1x16xf32, #tpu.memory_space<hbm>>
      %dma_wait3A_94 = tpu.memref_squeeze %dma_wait3A_93 : memref<1x16xf32, #tpu.memory_space<hbm>> -> memref<16xf32, #tpu.memory_space<hbm>>
      tpu.wait_dma2 semaphore(%run_scoped3A : memref<!tpu.dma_semaphore, #tpu.memory_space<semaphore_mem>>) src(%arg7 : memref<16xf32, #tpu.memory_space<vmem>>) dst(%dma_wait3A_94 : memref<16xf32, #tpu.memory_space<hbm>>)
      tpu.yield
    }) : () -> ()
    return
  }
}

module attributes {stable_mosaic.version = 14 : i64} {
  func.func @_count_fast_body(%arg0: i32, %arg1: memref<64x16xf32, #tpu.memory_space<vmem>>, %arg2: memref<64x16384xf32, #tpu.memory_space<vmem>>, %arg3: memref<1x1xf32, #tpu.memory_space<vmem>>, %arg4: memref<64x1xf32, #tpu.memory_space<vmem>>, %arg5: memref<64x1xf32, #tpu.memory_space<vmem>>) attributes {dimension_semantics = [#tpu.dimension_semantics<arbitrary>], iteration_bounds = array<i64: 62>, scalar_prefetch = 0 : i64, scratch_operands = 2 : i64, tpu.core_type = #tpu.core_type<tc>, window_params = [{pipeline_mode = #tpu.pipeline_mode<synchronous>, transform_indices = @transform_0, window_bounds = array<i64: 64, 16>}, {transform_indices = @transform_1, window_bounds = array<i64: 64, 16384>}, {pipeline_mode = #tpu.pipeline_mode<synchronous>, transform_indices = @transform_2, window_bounds = array<i64: 1, 1>}]} {
    %eq3A = arith.constant 0 : i32
    %eq3A_0 = arith.cmpi eq, %arg0, %eq3A : i32
    %convert_element_type3A = arith.extui %eq3A_0 : i1 to i32
    %cond3A = arith.constant 0 : i32
    %cond3A_1 = arith.cmpi ne, %convert_element_type3A, %cond3A : i32
    scf.if %cond3A_1 {
      %broadcast_in_dim3A = arith.constant 0.000000e+00 : f32
      %broadcast_in_dim3A_16 = vector.broadcast %broadcast_in_dim3A : f32 to vector<64x1xf32>
      %swap3A = arith.constant 0 : index
      %swap3A_17 = arith.constant 0 : index
      %swap3A_18 = vector.load %arg5[%swap3A, %swap3A_17] : memref<64x1xf32, #tpu.memory_space<vmem>>, vector<64x1xf32>
      tpu.vector_store %arg5[%swap3A, %swap3A_17], %broadcast_in_dim3A_16 {strides = array<i32>} : memref<64x1xf32, #tpu.memory_space<vmem>>, vector<64x1xf32>,
      %get3A_19 = arith.constant 0 : index
      %get3A_20 = arith.constant 0 : index
      %get3A_21 = vector.load %arg1[%get3A_19, %get3A_20] : memref<64x16xf32, #tpu.memory_space<vmem>>, vector<64x16xf32>
      %reduce_max3A = arith.constant dense<0xFF800000> : vector<64xf32>
      %reduce_max3A_22 = vector.multi_reduction <maximumf>, %get3A_21, %reduce_max3A [1] : vector<64x16xf32> to vector<64xf32>
      %broadcast_in_dim3A_23 = vector.shape_cast %reduce_max3A_22 : vector<64xf32> to vector<64x1xf32>
      %swap3A_24 = arith.constant 0 : index
      %swap3A_25 = arith.constant 0 : index
      %swap3A_26 = vector.load %arg4[%swap3A_24, %swap3A_25] : memref<64x1xf32, #tpu.memory_space<vmem>>, vector<64x1xf32>
      tpu.vector_store %arg4[%swap3A_24, %swap3A_25], %broadcast_in_dim3A_23 {strides = array<i32>} : memref<64x1xf32, #tpu.memory_space<vmem>>, vector<64x1xf32>,
    } else {
    }
    %get3A = arith.constant 0 : index
    %get3A_2 = arith.constant 0 : index
    %get3A_3 = vector.load %arg2[%get3A, %get3A_2] : memref<64x16384xf32, #tpu.memory_space<vmem>>, vector<64x16384xf32>
    %get3A_4 = arith.constant 0 : index
    %get3A_5 = arith.constant 0 : index
    %get3A_6 = vector.load %arg4[%get3A_4, %get3A_5] : memref<64x1xf32, #tpu.memory_space<vmem>>, vector<64x1xf32>
    %lt3A = arith.constant 61 : i32
    %lt3A_7 = arith.cmpi slt, %arg0, %lt3A : i32
    %convert_element_type3A_8 = arith.extui %lt3A_7 : i1 to i32
    %cond3A_9 = arith.constant 0 : i32
    %cond3A_10 = arith.cmpi ne, %convert_element_type3A_8, %cond3A_9 : i32
    scf.if %cond3A_10 {
      %gt3A = vector.broadcast %get3A_6 : vector<64x1xf32> to vector<64x16384xf32>
      %gt3A_16 = arith.cmpf ogt, %get3A_3, %gt3A : vector<64x16384xf32>
      %convert_element_type3A_17 = arith.extui %gt3A_16 : vector<64x16384xi1> to vector<64x16384xi32>
      %convert_element_type3A_18 = arith.sitofp %convert_element_type3A_17 : vector<64x16384xi32> to vector<64x16384xf32>
      %get3A_19 = arith.constant 0 : index
      %get3A_20 = arith.constant 0 : index
      %get3A_21 = vector.load %arg5[%get3A_19, %get3A_20] : memref<64x1xf32, #tpu.memory_space<vmem>>, vector<64x1xf32>
      %reduce_sum3A = arith.constant dense<0.000000e+00> : vector<64xf32>
      %reduce_sum3A_22 = vector.multi_reduction <add>, %convert_element_type3A_18, %reduce_sum3A [1] : vector<64x16384xf32> to vector<64xf32>
      %broadcast_in_dim3A = vector.shape_cast %reduce_sum3A_22 : vector<64xf32> to vector<64x1xf32>
      %add3A = arith.addf %get3A_21, %broadcast_in_dim3A : vector<64x1xf32>
      %swap3A = arith.constant 0 : index
      %swap3A_23 = arith.constant 0 : index
      %swap3A_24 = vector.load %arg5[%swap3A, %swap3A_23] : memref<64x1xf32, #tpu.memory_space<vmem>>, vector<64x1xf32>
      tpu.vector_store %arg5[%swap3A, %swap3A_23], %add3A {strides = array<i32>} : memref<64x1xf32, #tpu.memory_space<vmem>>, vector<64x1xf32>,
    } else {
    }
    %eq3A_11 = arith.constant 61 : i32
    %eq3A_12 = arith.cmpi eq, %arg0, %eq3A_11 : i32
    %convert_element_type3A_13 = arith.extui %eq3A_12 : i1 to i32
    %cond3A_14 = arith.constant 0 : i32
    %cond3A_15 = arith.cmpi ne, %convert_element_type3A_13, %cond3A_14 : i32
    scf.if %cond3A_15 {
      %iota3A = tpu.iota {dimensions = array<i32: 1>} : vector<64x16384xi32>
      %mul3A = arith.constant 16384 : i32
      %mul3A_16 = arith.muli %arg0, %mul3A : i32
      %sub3A = arith.constant 1000000 : i32
      %sub3A_17 = arith.subi %sub3A, %mul3A_16 : i32
      %lt3A_18 = vector.broadcast %sub3A_17 : i32 to vector<64x16384xi32>
      %lt3A_19 = arith.cmpi slt, %iota3A, %lt3A_18 : vector<64x16384xi32>
      %gt3A = vector.broadcast %get3A_6 : vector<64x1xf32> to vector<64x16384xf32>
      %gt3A_20 = arith.cmpf ogt, %get3A_3, %gt3A : vector<64x16384xf32>
      %and3A = arith.andi %gt3A_20, %lt3A_19 : vector<64x16384xi1>
      %convert_element_type3A_21 = arith.extui %and3A : vector<64x16384xi1> to vector<64x16384xi32>
      %convert_element_type3A_22 = arith.sitofp %convert_element_type3A_21 : vector<64x16384xi32> to vector<64x16384xf32>
      %get3A_23 = arith.constant 0 : index
      %get3A_24 = arith.constant 0 : index
      %get3A_25 = vector.load %arg5[%get3A_23, %get3A_24] : memref<64x1xf32, #tpu.memory_space<vmem>>, vector<64x1xf32>
      %reduce_sum3A = arith.constant dense<0.000000e+00> : vector<64xf32>
      %reduce_sum3A_26 = vector.multi_reduction <add>, %convert_element_type3A_22, %reduce_sum3A [1] : vector<64x16384xf32> to vector<64xf32>
      %broadcast_in_dim3A = vector.shape_cast %reduce_sum3A_26 : vector<64xf32> to vector<64x1xf32>
      %add3A = arith.addf %get3A_25, %broadcast_in_dim3A : vector<64x1xf32>
      %lt3A_27 = arith.constant 5.000000e+00 : f32
      %lt3A_28 = vector.broadcast %lt3A_27 : f32 to vector<64x1xf32>
      %lt3A_29 = arith.cmpf olt, %add3A, %lt3A_28 : vector<64x1xf32>
      %convert_element_type3A_30 = arith.extui %lt3A_29 : vector<64x1xi1> to vector<64x1xi32>
      %convert_element_type3A_31 = arith.sitofp %convert_element_type3A_30 : vector<64x1xi32> to vector<64x1xf32>
      %reduce_max3A = vector.shape_cast %convert_element_type3A_31 : vector<64x1xf32> to vector<1x64x1xf32>
      %reduce_max3A_32 = arith.constant dense<0xFF800000> : vector<1xf32>
      %reduce_max3A_33 = vector.multi_reduction <maximumf>, %reduce_max3A, %reduce_max3A_32 [1, 2] : vector<1x64x1xf32> to vector<1xf32>
      %reduce_max3A_34 = vector.shape_cast %reduce_max3A_33 : vector<1xf32> to vector<1x1x1xf32>
      %reduce_max3A_35 = vector.extract %reduce_max3A_34[0, 0, 0] : f32 from vector<1x1x1xf32>
      %reshape3A = vector.broadcast %reduce_max3A_35 : f32 to vector<1x1xf32>
      %swap3A = arith.constant 0 : index
      %swap3A_36 = arith.constant 0 : index
      %swap3A_37 = vector.load %arg3[%swap3A, %swap3A_36] : memref<1x1xf32, #tpu.memory_space<vmem>>, vector<1x1xf32>
      tpu.vector_store %arg3[%swap3A, %swap3A_36], %reshape3A {strides = array<i32>} : memref<1x1xf32, #tpu.memory_space<vmem>>, vector<1x1xf32>,
    } else {
    }
    return
  }
  func.func @transform_0(%arg0: i32) -> (i32, i32) {
    %c0_i32 = arith.constant 0 : i32
    %c0_i32_0 = arith.constant 0 : i32
    %c0_i32_1 = arith.constant 0 : i32
    return %c0_i32, %c0_i32_0 : i32, i32
  }
  func.func @transform_1(%arg0: i32) -> (i32, i32) {
    %c0_i32 = arith.constant 0 : i32
    %c0_i32_0 = arith.constant 0 : i32
    return %c0_i32, %arg0 : i32, i32
  }
  func.func @transform_2(%arg0: i32) -> (i32, i32) {
    %c0_i32 = arith.constant 0 : i32
    %c0_i32_0 = arith.constant 0 : i32
    %c0_i32_1 = arith.constant 0 : i32
    return %c0_i32, %c0_i32_0 : i32, i32
  }
}

module attributes {stable_mosaic.version = 14 : i64} {
  func.func @_count_exact_body(%arg0: i32, %arg1: memref<64x1xf32, #tpu.memory_space<vmem>>, %arg2: memref<64x1xf32, #tpu.memory_space<vmem>>, %arg3: memref<64x1xi32, #tpu.memory_space<vmem>>, %arg4: memref<64x16384xf32, #tpu.memory_space<vmem>>, %arg5: memref<1x1xf32, #tpu.memory_space<vmem>>, %arg6: memref<64x1xf32, #tpu.memory_space<vmem>>) attributes {dimension_semantics = [#tpu.dimension_semantics<arbitrary>], iteration_bounds = array<i64: 62>, scalar_prefetch = 0 : i64, scratch_operands = 1 : i64, tpu.core_type = #tpu.core_type<tc>, window_params = [{pipeline_mode = #tpu.pipeline_mode<synchronous>, transform_indices = @transform_0, window_bounds = array<i64: 64, 1>}, {pipeline_mode = #tpu.pipeline_mode<synchronous>, transform_indices = @transform_1, window_bounds = array<i64: 64, 1>}, {pipeline_mode = #tpu.pipeline_mode<synchronous>, transform_indices = @transform_2, window_bounds = array<i64: 64, 1>}, {transform_indices = @transform_3, window_bounds = array<i64: 64, 16384>}, {pipeline_mode = #tpu.pipeline_mode<synchronous>, transform_indices = @transform_4, window_bounds = array<i64: 1, 1>}]} {
    %eq3A = arith.constant 0 : i32
    %eq3A_0 = arith.cmpi eq, %arg0, %eq3A : i32
    %convert_element_type3A = arith.extui %eq3A_0 : i1 to i32
    %cond3A = arith.constant 0 : i32
    %cond3A_1 = arith.cmpi ne, %convert_element_type3A, %cond3A : i32
    scf.if %cond3A_1 {
      %broadcast_in_dim3A_29 = arith.constant 0.000000e+00 : f32
      %broadcast_in_dim3A_30 = vector.broadcast %broadcast_in_dim3A_29 : f32 to vector<64x1xf32>
      %swap3A = arith.constant 0 : index
      %swap3A_31 = arith.constant 0 : index
      %swap3A_32 = vector.load %arg6[%swap3A, %swap3A_31] : memref<64x1xf32, #tpu.memory_space<vmem>>, vector<64x1xf32>
      tpu.vector_store %arg6[%swap3A, %swap3A_31], %broadcast_in_dim3A_30 {strides = array<i32>} : memref<64x1xf32, #tpu.memory_space<vmem>>, vector<64x1xf32>,
    } else {
    }
    %get3A = arith.constant 0 : index
    %get3A_2 = arith.constant 0 : index
    %get3A_3 = vector.load %arg4[%get3A, %get3A_2] : memref<64x16384xf32, #tpu.memory_space<vmem>>, vector<64x16384xf32>
    %get3A_4 = arith.constant 0 : index
    %get3A_5 = arith.constant 0 : index
    %get3A_6 = vector.load %arg1[%get3A_4, %get3A_5] : memref<64x1xf32, #tpu.memory_space<vmem>>, vector<64x1xf32>
    %get3A_7 = arith.constant 0 : index
    %get3A_8 = arith.constant 0 : index
    %get3A_9 = vector.load %arg2[%get3A_7, %get3A_8] : memref<64x1xf32, #tpu.memory_space<vmem>>, vector<64x1xf32>
    %get3A_10 = arith.constant 0 : index
    %get3A_11 = arith.constant 0 : index
    %get3A_12 = vector.load %arg3[%get3A_10, %get3A_11] : memref<64x1xi32, #tpu.memory_space<vmem>>, vector<64x1xi32>
    %mul3A = arith.constant 16384 : i32
    %mul3A_13 = arith.muli %arg0, %mul3A : i32
    %sub3A = vector.broadcast %mul3A_13 : i32 to vector<64x1xi32>
    %sub3A_14 = arith.subi %get3A_12, %sub3A : vector<64x1xi32>
    %iota3A = tpu.iota {dimensions = array<i32: 1>} : vector<64x16384xi32>
    %lt3A = vector.broadcast %sub3A_14 : vector<64x1xi32> to vector<64x16384xi32>
    %lt3A_15 = arith.cmpi slt, %iota3A, %lt3A : vector<64x16384xi32>
    %broadcast_in_dim3A = vector.shape_cast %get3A_9 : vector<64x1xf32> to vector<64x1xf32>
    %broadcast_in_dim3A_16 = vector.broadcast %broadcast_in_dim3A : vector<64x1xf32> to vector<64x16384xf32>
    %broadcast_in_dim3A_17 = vector.shape_cast %get3A_6 : vector<64x1xf32> to vector<64x1xf32>
    %broadcast_in_dim3A_18 = vector.broadcast %broadcast_in_dim3A_17 : vector<64x1xf32> to vector<64x16384xf32>
    %select_n3A = arith.select %lt3A_15, %broadcast_in_dim3A_16, %broadcast_in_dim3A_18 : vector<64x16384xi1>, vector<64x16384xf32>
    %lt3A_19 = arith.constant 61 : i32
    %lt3A_20 = arith.cmpi slt, %arg0, %lt3A_19 : i32
    %convert_element_type3A_21 = arith.extui %lt3A_20 : i1 to i32
    %cond3A_22 = arith.constant 0 : i32
    %cond3A_23 = arith.cmpi ne, %convert_element_type3A_21, %cond3A_22 : i32
    scf.if %cond3A_23 {
      %gt3A = arith.cmpf ogt, %get3A_3, %select_n3A : vector<64x16384xf32>
      %convert_element_type3A_29 = arith.extui %gt3A : vector<64x16384xi1> to vector<64x16384xi32>
      %convert_element_type3A_30 = arith.sitofp %convert_element_type3A_29 : vector<64x16384xi32> to vector<64x16384xf32>
      %get3A_31 = arith.constant 0 : index
      %get3A_32 = arith.constant 0 : index
      %get3A_33 = vector.load %arg6[%get3A_31, %get3A_32] : memref<64x1xf32, #tpu.memory_space<vmem>>, vector<64x1xf32>
      %reduce_sum3A = arith.constant dense<0.000000e+00> : vector<64xf32>
      %reduce_sum3A_34 = vector.multi_reduction <add>, %convert_element_type3A_30, %reduce_sum3A [1] : vector<64x16384xf32> to vector<64xf32>
      %broadcast_in_dim3A_35 = vector.shape_cast %reduce_sum3A_34 : vector<64xf32> to vector<64x1xf32>
      %add3A = arith.addf %get3A_33, %broadcast_in_dim3A_35 : vector<64x1xf32>
      %swap3A = arith.constant 0 : index
      %swap3A_36 = arith.constant 0 : index
      %swap3A_37 = vector.load %arg6[%swap3A, %swap3A_36] : memref<64x1xf32, #tpu.memory_space<vmem>>, vector<64x1xf32>
      tpu.vector_store %arg6[%swap3A, %swap3A_36], %add3A {strides = array<i32>} : memref<64x1xf32, #tpu.memory_space<vmem>>, vector<64x1xf32>,
    } else {
    }
    %eq3A_24 = arith.constant 61 : i32
    %eq3A_25 = arith.cmpi eq, %arg0, %eq3A_24 : i32
    %convert_element_type3A_26 = arith.extui %eq3A_25 : i1 to i32
    %cond3A_27 = arith.constant 0 : i32
    %cond3A_28 = arith.cmpi ne, %convert_element_type3A_26, %cond3A_27 : i32
    scf.if %cond3A_28 {
      %mul3A_29 = arith.constant 16384 : i32
      %mul3A_30 = arith.muli %arg0, %mul3A_29 : i32
      %sub3A_31 = arith.constant 1000000 : i32
      %sub3A_32 = arith.subi %sub3A_31, %mul3A_30 : i32
      %lt3A_33 = vector.broadcast %sub3A_32 : i32 to vector<64x16384xi32>
      %lt3A_34 = arith.cmpi slt, %iota3A, %lt3A_33 : vector<64x16384xi32>
      %jit3A = arith.constant 0x7F800000 : f32
      %broadcast_in_dim3A_35 = vector.broadcast %jit3A : f32 to vector<64x16384xf32>
      %select_n3A_36 = arith.select %lt3A_34, %select_n3A, %broadcast_in_dim3A_35 : vector<64x16384xi1>, vector<64x16384xf32>
      %gt3A = arith.cmpf ogt, %get3A_3, %select_n3A_36 : vector<64x16384xf32>
      %convert_element_type3A_37 = arith.extui %gt3A : vector<64x16384xi1> to vector<64x16384xi32>
      %convert_element_type3A_38 = arith.sitofp %convert_element_type3A_37 : vector<64x16384xi32> to vector<64x16384xf32>
      %get3A_39 = arith.constant 0 : index
      %get3A_40 = arith.constant 0 : index
      %get3A_41 = vector.load %arg6[%get3A_39, %get3A_40] : memref<64x1xf32, #tpu.memory_space<vmem>>, vector<64x1xf32>
      %reduce_sum3A = arith.constant dense<0.000000e+00> : vector<64xf32>
      %reduce_sum3A_42 = vector.multi_reduction <add>, %convert_element_type3A_38, %reduce_sum3A [1] : vector<64x16384xf32> to vector<64xf32>
      %broadcast_in_dim3A_43 = vector.shape_cast %reduce_sum3A_42 : vector<64xf32> to vector<64x1xf32>
      %add3A = arith.addf %get3A_41, %broadcast_in_dim3A_43 : vector<64x1xf32>
      %lt3A_44 = arith.constant 5.000000e+00 : f32
      %lt3A_45 = vector.broadcast %lt3A_44 : f32 to vector<64x1xf32>
      %lt3A_46 = arith.cmpf olt, %add3A, %lt3A_45 : vector<64x1xf32>
      %convert_element_type3A_47 = arith.extui %lt3A_46 : vector<64x1xi1> to vector<64x1xi32>
      %convert_element_type3A_48 = arith.sitofp %convert_element_type3A_47 : vector<64x1xi32> to vector<64x1xf32>
      %reduce_sum3A_49 = vector.shape_cast %convert_element_type3A_48 : vector<64x1xf32> to vector<1x64x1xf32>
      %reduce_sum3A_50 = arith.constant dense<0.000000e+00> : vector<1xf32>
      %reduce_sum3A_51 = vector.multi_reduction <add>, %reduce_sum3A_49, %reduce_sum3A_50 [1, 2] : vector<1x64x1xf32> to vector<1xf32>
      %reduce_sum3A_52 = vector.shape_cast %reduce_sum3A_51 : vector<1xf32> to vector<1x1x1xf32>
      %reduce_sum3A_53 = vector.extract %reduce_sum3A_52[0, 0, 0] : f32 from vector<1x1x1xf32>
      %mul3A_54 = arith.constant 1.562500e-02 : f32
      %mul3A_55 = arith.mulf %reduce_sum3A_53, %mul3A_54 : f32
      %reshape3A = vector.broadcast %mul3A_55 : f32 to vector<1x1xf32>
      %swap3A = arith.constant 0 : index
      %swap3A_56 = arith.constant 0 : index
      %swap3A_57 = vector.load %arg5[%swap3A, %swap3A_56] : memref<1x1xf32, #tpu.memory_space<vmem>>, vector<1x1xf32>
      tpu.vector_store %arg5[%swap3A, %swap3A_56], %reshape3A {strides = array<i32>} : memref<1x1xf32, #tpu.memory_space<vmem>>, vector<1x1xf32>,
    } else {
    }
    return
  }
  func.func @transform_0(%arg0: i32) -> (i32, i32) {
    %c0_i32 = arith.constant 0 : i32
    %c0_i32_0 = arith.constant 0 : i32
    %c0_i32_1 = arith.constant 0 : i32
    return %c0_i32, %c0_i32_0 : i32, i32
  }
  func.func @transform_1(%arg0: i32) -> (i32, i32) {
    %c0_i32 = arith.constant 0 : i32
    %c0_i32_0 = arith.constant 0 : i32
    %c0_i32_1 = arith.constant 0 : i32
    return %c0_i32, %c0_i32_0 : i32, i32
  }
  func.func @transform_2(%arg0: i32) -> (i32, i32) {
    %c0_i32 = arith.constant 0 : i32
    %c0_i32_0 = arith.constant 0 : i32
    %c0_i32_1 = arith.constant 0 : i32
    return %c0_i32, %c0_i32_0 : i32, i32
  }
  func.func @transform_3(%arg0: i32) -> (i32, i32) {
    %c0_i32 = arith.constant 0 : i32
    %c0_i32_0 = arith.constant 0 : i32
    return %c0_i32, %arg0 : i32, i32
  }
  func.func @transform_4(%arg0: i32) -> (i32, i32) {
    %c0_i32 = arith.constant 0 : i32
    %c0_i32_0 = arith.constant 0 : i32
    %c0_i32_1 = arith.constant 0 : i32
    return %c0_i32, %c0_i32_0 : i32, i32
  }
}

</mosaic_0001>

<sc_bundles>
// kernel: kernel.4.cloned.1.call-start
scs
__scs_entry_jumppad:
0x0: {  	(pc) =	sbr.rel $0x88, $3  }
0x1: {  	(tag) =	ssettag $0x0;
	lr =	simm.s32 $0x1  }
0x2: {  	[smem:$0x3F9F] =	sst lr;
	_ =	strace $0xD0000000  }
0x3: {  	_ = 	snop  }
0x4: {  	_ = 	snop  }
0x5: {  	_ = 	snop  }
0x6: {  	_ = 	snop  }
0x7: {  	_ = 	snop  }
__scs_overlays_trampoline_lowered:
0x8: {  	[smem:$0x3FAE] =	sst s0  }
0x9: {  	[smem:$0x3FAF] =	sst s1  }
0xa: {  	[smem:$0x3FB0] =	sst s2  }
0xb: {  	[smem:$0x3FB1] =	sst s3  }
0xc: {  	[smem:$0x3FB2] =	sst s4  }
0xd: {  	[smem:$0x3FB3] =	sst s5  }
0xe: {  	[smem:$0x3FB4] =	sst s6  }
0xf: {  	[smem:$0x3FB5] =	sst s7  }
0x10: {  	[smem:$0x3FB6] =	sst s8  }
0x11: {  	[smem:$0x3FB7] =	sst s9;
	s0 =	simm.s32 @!p0 $0x0  }
0x12: {  	s1 =	sld [smem:$0x3F9D];
	s0 =	simm.s32 @p0 $0x1  }
0x13: {  	[smem:$0x3FB8] =	sst s0;
	s0 =	simm.s32 @!p1 $0x0  }
0x14: {  	s2 =	sld [smem:$0x3F9C];
	s0 =	simm.s32 @p1 $0x1  }
0x15: {  	[smem:$0x3FB9] =	sst s0;
	s0 =	simm.s32 @!p2 $0x0  }
0x16: {  	s3 =	sld [smem:$0x3FDB];
	s0 =	simm.s32 @p2 $0x1  }
0x17: {  	s4 =	simm.s32 $0x1BF5;
	[smem:$0x3FBB] =	sst s0  }
0x18: {  	s0 =	sld [smem:$0x3F9E];
	_ =	swait.ge [sflag:s4], $0x0  }
0x19: {  	s7 =	sld [smem:$0x3F9F]  }
0x1a: {  	s8 =	sadd.s32 $0xFFFFE003, lr  }
0x1b: {  	s9 =	sadd.s32 $0xFFFFFEF7, lr;
	s5 =	simm.s32 $0xFFFFFFFF;
	p2 =	slt.u32 s8, $0xFFFFF086  }
0x1c: {  	p1 =	slt.u32 s9, $0xF7A;
	s5 =	simm.s32 @!p2 $0x0  }
0x1d: {  	s5 =	simm.s32 @p1 $0x1;
	p0 =	seq.s32 s7, s2  }
0x1e: {  	s7 =	smul.u32 @!p0 $0xF7A, s2;
	p2 =	seq.s32 @!p0 s5, $0x0  }
0x1f: {  	s9 =	smul.u32 $0xF7A, s1;
	s8 =	simm.s32 @!p0 $0x1BF5;
	p2 =	por !p2, p0  }
0x20: {  	[sflag:s8] =	ssyncset.s32 @!p0 $0xFFFFF086;
	s6 =	sadd.s32 @!p0 s3, s7;
	s7 =	simm.s32 @!p0 $0x108  }
0x21: {  	s3 =	sadd.s32 s3, s9;
	s6 =	sadd.s32 @!p0 $0x88, s6;
	s7 =	simm.s32 @p2 $0x1082  }
0x22: {  	[simem:s7], [sflag:s8] =	dma.local @!p0 [hbm:s6], $0xF7A  }
0x23: {  	s9 =	sor.u32 $0xD0000000, s2;
	s6 =	simm.s32 $0x108;
	_ =	swait.ge @!p0 [sflag:s8], $0x0  }
0x24: {  	s3 =	sadd.s32 $0x88, s3;
	s6 =	simm.s32 @!p1 $0x1082;
	[sflag:s4] =	ssyncset.s32 $0xFFFFF086  }
0x25: {  	[simem:s6], [sflag:s4] =	dma.local [hbm:s3], $0xF7A  }
0x26: {  	[smem:$0x3F9F] =	sst s1;
	(tag) =	ssettag s2;
	_ =	strace s9  }
0x27: {  	s1 =	sld [smem:$0x3FAF]  }
0x28: {  	s2 =	sld [smem:$0x3FB0]  }
0x29: {  	s4 =	sld [smem:$0x3FB2]  }
0x2a: {  	p0 =	seq.s32 s5, $0x0;
	s5 =	sld [smem:$0x3FB3]  }
0x2b: {  	s6 =	sld [smem:$0x3FB4]  }
0x2c: {  	s7 =	sld [smem:$0x3FB5]  }
0x2d: {  	s3 =	simm.s32 $0x108;
	s8 =	sld [smem:$0x3FB6]  }
0x2e: {  	s3 =	simm.s32 @!p0 $0x1082;
	s9 =	sld [smem:$0x3FB7]  }
0x2f: {  	lr =	sadd.s32 s0, s3;
	s0 =	sld [smem:$0x3FAE]  }
0x30: {  	s3 =	sld [smem:$0x3FB1]  }
0x31: {  	[smem:$0x3FBA] =	sst s10  }
0x32: {  	s10 =	sld [smem:$0x3FB8];
	_ =	sdelay $0x3  }
0x33: {  	p0 =	seq.s32 s10, $0x1;
	s10 =	sld [smem:$0x3FBA];
	_ =	sdelay $0x3  }
0x34: {  	[smem:$0x3FBA] =	sst s10  }
0x35: {  	s10 =	sld [smem:$0x3FB9];
	_ =	sdelay $0x3  }
0x36: {  	p1 =	seq.s32 s10, $0x1;
	s10 =	sld [smem:$0x3FBA];
	_ =	sdelay $0x3  }
0x37: {  	[smem:$0x3FBA] =	sst s10  }
0x38: {  	s10 =	sld [smem:$0x3FBB]  }
0x39: {  	_ = 	snop;
	(pc) =	sbr.ind lr, $3  }
0x3a: {  	_ = 	snop  }
0x3b: {  	_ = 	snop  }
0x3c: {  	p2 =	seq.s32 s10, $0x1;
	s10 =	sld [smem:$0x3FBA]  }
0x3d: {  	_ =	shalt  }
0x3e: {  	_ =	shalt  }
0x3f: {  	_ =	shalt  }
0x40: {  	_ =	shalt  }
0x41: {  	_ =	shalt  }
0x42: {  	_ =	shalt  }
0x43: {  	_ =	shalt  }
0x44: {  	_ =	shalt  }
0x45: {  	_ =	shalt  }
0x46: {  	_ =	shalt  }
0x47: {  	_ =	shalt  }
0x48: {  	_ =	shalt  }
0x49: {  	_ =	shalt  }
0x4a: {  	_ =	shalt  }
0x4b: {  	_ =	shalt  }
0x4c: {  	_ =	shalt  }
0x4d: {  	_ =	shalt  }
0x4e: {  	_ =	shalt  }
0x4f: {  	_ =	shalt  }
0x50: {  	_ =	shalt  }
0x51: {  	_ =	shalt  }
0x52: {  	_ =	shalt  }
0x53: {  	_ =	shalt  }
0x54: {  	_ =	shalt  }
0x55: {  	_ =	shalt  }
0x56: {  	_ =	shalt  }
0x57: {  	_ =	shalt  }
0x58: {  	_ =	shalt  }
0x59: {  	_ =	shalt  }
0x5a: {  	_ =	shalt  }
0x5b: {  	_ =	shalt  }
0x5c: {  	_ =	shalt  }
0x5d: {  	_ =	shalt  }
0x5e: {  	_ =	shalt  }
0x5f: {  	_ =	shalt  }
0x60: {  	_ =	shalt  }
0x61: {  	_ =	shalt  }
0x62: {  	_ =	shalt  }
0x63: {  	_ =	shalt  }
0x64: {  	_ =	shalt  }
0x65: {  	_ =	shalt  }
0x66: {  	_ =	shalt  }
0x67: {  	_ =	shalt  }
0x68: {  	_ =	shalt  }
0x69: {  	_ =	shalt  }
0x6a: {  	_ =	shalt  }
0x6b: {  	_ =	shalt  }
0x6c: {  	_ =	shalt  }
0x6d: {  	_ =	shalt  }
0x6e: {  	_ =	shalt  }
0x6f: {  	_ =	shalt  }
0x70: {  	_ =	shalt  }
0x71: {  	_ =	shalt  }
0x72: {  	_ =	shalt  }
0x73: {  	_ =	shalt  }
0x74: {  	_ =	shalt  }
0x75: {  	_ =	shalt  }
0x76: {  	_ =	shalt  }
0x77: {  	_ =	shalt  }
0x78: {  	_ =	shalt  }
0x79: {  	_ =	shalt  }
0x7a: {  	_ =	shalt  }
0x7b: {  	_ =	shalt  }
0x7c: {  	_ =	shalt  }
0x7d: {  	_ =	shalt  }
0x7e: {  	_ =	shalt  }
0x7f: {  	_ =	shalt  }
0x80: {  	_ =	shalt  }
0x81: {  	_ =	shalt  }
0x82: {  	_ =	shalt  }
0x83: {  	_ =	shalt  }
0x84: {  	_ =	shalt  }
0x85: {  	_ =	shalt  }
0x86: {  	_ =	shalt  }
0x87: {  	_ =	shalt  }
.Lfunc_end0:
.L_simem_size_0:
called_computation_lowered:
.L_overlay_start_0:
0x88: {  	s2 =	sld [smem:$0x3FD9]  }
0x89: {  	s3 =	sld [smem:$0x3FFE];
	_ =	sdelay $0x1  }
0x8a: {  	s1 =	srdreg.scid  }
0x8b: {  	s0 =	sand.u32 $0x1, s1  }
0x8c: {  	s17 =	sshll.u32 s0, $0xA;
	s2 =	sadd.s32 s3, s2  }
0x8d: {  	s2 =	sadd.s32 s2, s17  }
0x8e: {  	[smem:$0x3FC6] =	sst s2  }
0x8f: {  	_ = 	snop  }
0x90: {  	s2 =	sld [smem:$0x3FC9];
	(tm) =	ssettm $0x1  }
0x91: {  	s18 =	sld [smem:$0x3FFB];
	_ =	sdelay $0x3  }
0x92: {  	_ =	strace s18  }
0x93: {  	s3 =	sld [smem:$0x3FFC];
	_ =	sdelay $0x3  }
0x94: {  	_ =	strace s3  }
0x95: {  	s3 =	sld [smem:$0x3FFD];
	_ =	sdelay $0x3  }
0x96: {  	_ =	strace s3  }
0x97: {  	_ =	strace $0x8FFFFFFF  }
0x98: {  	s19 =	sld [smem:$0x3FDB];
	_ =	sdelay $0x1  }
0x99: {  	s4 =	simm.s32 $_scs_section_size  }
0x9a: {  	s5 =	simm.s32 $_size__tile_overlayer_lowered;
	s6 =	simm.s32 $_tile_overlayer_lowered  }
0x9b: {  	s22 =	simm.s32 $0x1BFF;
	s21 =	sshll.u32 s6, $0x1;
	s3 =	sadd.s32 s4, s19  }
0x9c: {  	s7 =	simm.s32 $0x0;
	s20 =	sshll.u32 s5, $0x1;
	s5 =	sadd.s32 s21, s3  }
0x9d: {  	[timem:s7], [sflag:s22] =	dma.local [hbm:s5], s20  }
0x9e: {  	_ =	swait.ge [sflag:s22], s20  }
0x9f: {  	s4 =	ssub.s32 $0x0, s20;
	[sflag:s22] =	ssyncset.done $0x0  }
0xa0: {  	[sflag:s22] =	ssyncadd.s32 s4;
	_ =	sdelay $0x1  }
0xa1: {  	s23 =	simm.s32 $0x1B8B  }
0xa2: {  	_ =	swait.ge [sflag:s23], $0x1  }
0xa3: {  	[sflag:s23] =	ssyncset.done $0x0  }
0xa4: {  	s25 =	simm.s32 $0x1B8E;
	s24 =	sld [smem:$0x3FFE];
	[sflag:s23] =	ssyncadd.s32 $0xFFFFFFFF  }
0xa5: {  	s26 =	simm.s32 $execute0_lowered;
	[smem:$0x3FD2] =	sst s25  }
0xa6: {  	s5 =	sshll.u32 s26, $0x1;
	_ =	strace $0x80000046;
	[dreg:$0x1] =	wrdreg $0xFFFFFFFF  }
0xa7: {  	s28 =	simm.s32 $_size_execute0_lowered;
	s3 =	sadd.s32 s3, s5;
	[dreg:$0x0] =	wrdreg $0x0  }
0xa8: {  	s5 =	sshll.u32 s28, $0x1;
	[dreg:$0x2] =	wrdreg s3  }
0xa9: {  	[dreg:$0x3] =	wrdreg s5  }
0xaa: {  	[dreg:$0x4] =	wrdreg $0xC0  }
0xab: {  	_ =	task [dreg:s7], $0x5FFFF  }
0xac: {  	[dreg:$0x1] =	wrdreg $0xFFFFFFFF  }
0xad: {  	[dreg:$0x0] =	wrdreg $0x60  }
0xae: {  	[dreg:$0x2] =	wrdreg s2  }
0xaf: {  	[dreg:$0x3] =	wrdreg s24  }
0xb0: {  	[dreg:$0x4] =	wrdreg $0x9  }
0xb1: {  	_ =	task.clear_ibuf [dreg:s7], $0x5FFFF;
	_ =	strace $0x90000046  }
0xb2: {  	s29 =	simm.s32 $0x9;
	_ =	strace $0x80000048  }
0xb3: {  	_ =	swait.ge [sflag:s29], $0x1  }
0xb4: {  	[sflag:s29] =	ssyncadd.s32 $0xFFFFFFFF  }
0xb5: {  	_ =	strace $0x90000048  }
0xb6: {  	_ =	sfence  }
0xb7: {  	s30 =	sld [smem:$0x0];
	_ =	sdelay $0x2  }
0xb8: {  	s31 =	sshll.u32 s1, $0xD;
	s1 =	sshrl.u32 s1, $0x2  }
0xb9: {  	s3 =	sand.u32 $0x4000, s31;
	s1 =	sadd.s32 s1, s30  }
0xba: {  	s0 =	sor.u32 s3, s0;
	s1 =	sshll.u32 s1, $0x11  }
0xbb: {  	s0 =	sor.u32 s1, s0  }
0xbc: {  	s0 =	sadd.s32 $0x8F2B, s0  }
0xbd: {  	[sflag:s0] =	ssyncadd.remote.s32 $0x1  }
0xbe: {  	_ =	sfence.sel $0xFFFF  }
0xbf: {  	[dreg:$0x0] =	wrdreg $0xFFFFFFFF;
	(pc) =	sbr.abs _section_cstart, $3  }
0xc0: {  	[dreg:$0x1] =	wrdreg $0xFFFFFFFF  }
0xc1: {  	_ =	task.clear_ibuf [dreg:s7], $0x2FFFF;
	_ =	strace $0x9FFFFFFF  }
0xc2: {  	(tm) =	ssettm $0x7FFFFFFF  }
0xc3: {  	_ =	shalt  }
tec
execute0_lowered:
.L_overlay_start_1:
0x0: {  	(tag) =	ssettag $0x1  }
0x1: {  	s3 =	rddreg [dreg:$0x0]  }
0x2: {  	s4 =	rddreg [dreg:$0x1]  }
0x3: {  	s0 =	rddreg [dreg:$0x2];
	s2 =	simm.s32 $0x0  }
0x4: {  	s5 =	srdreg.scid;
	s1 =	stileid.u32;
	p0 =	por $0x0, $0x0  }
0x5: {  	[smem:$0x7FF] =	sst s2;
	s5 =	sand.u32 $0x1, s5;
	s6 =	sadd.s32 $0x800, s4  }
0x6: {  	s7 =	sshll.u32 s1, $0x2;
	s4 =	sadd.s32 $0xC00, s4;
	s28 =	sshrl.u32 s1, $0x1  }
0x7: {  	_ =	strace $0x80000047;
	s8 =	sshll.u32 s5, $0x1;
	[dreg:$0x3] =	wrdreg s6  }
0x8: {  	s29 =	sshll.u32 s28, $0xA;
	s12 =	ssub.s32 $0x2, s5;
	s26 =	sor.u32 s8, s7  }
0x9: {  	s30 =	sshrl.u32 s12, $0x1;
	s7 =	smul.u32 $0x7A1400, s28;
	s10 =	sor.u32 $0x1, s26  }
0xa: {  	s8 =	sshll.u32 s26, $0x7;
	s6 =	sshll.u32 s26, $0x9;
	s11 =	sshll.u32 s10, $0x7  }
0xb: {  	s9 =	sand.u32 $0x300, s8;
	s5 =	sand.u32 $0x380, s11;
	s11 =	ssub.s32 s12, s30  }
0xc: {  	s10 =	sshll.u32 s10, $0x9;
	s6 =	sshrl.u32 s6, $0x2;
	s11 =	smax.u32 s11, $0x1  }
0xd: {  	s13 =	sor.u32 s29, s9;
	[dreg:$0x4] =	wrdreg s6;
	p1 =	sne.s32 s11, $0x1  }
.Ltmp0:
0xe: {  	s10 =	sshrl.u32 s10, $0x2;
	s13 =	sshrl.u32 s13, $0x3;
	(pc) =	sbr.rel @!p1 .LBB2_3-.Ltmp0, $4  }
0xf: {  	s8 =	sor.u32 s29, s5;
	[dreg:$0x6] =	wrdreg s10;
	s31 =	sadd.s32 s4, s13  }
0x10: {  	s8 =	sshrl.u32 s8, $0x3;
	s10 =	sadd.s32 $0xFFFFFFFF, s11;
	s11 =	rddreg [dreg:$0x3]  }
0x11: {  	s6 =	simm.s32 $0x2080;
	[dreg:$0x5] =	wrdreg s31;
	s4 =	sadd.s32 s4, s8  }
0x12: {  	v0 =	vlaneseq.u32;
	s8 =	simm.s32 $0x2000;
	[dreg:$0x7] =	wrdreg s4;
	s4 =	simm.s32 $0x1  }
0x13: {  	[tilespmem:s2], [sflag:$0x1] =	stream.linear.gather [hbm4b:s11+s2], $0x2000, $0x38;
	[tilespmem:$0x2100] =	vst v63  }
0x14: {  	_ =	swait.ge [sflag:s4], $0x2000  }
0x15: {  	[sflag:s4] =	ssyncset.done $0x0  }
0x16: {  	s20 =	rddreg [dreg:$0x4];
	[sflag:s4] =	ssyncadd.s32 $0xFFFFE000  }
0x17: {  	v1 =	vld [tilespmem:s20+$0x0];
	_ =	sdelay $0x4  }
0x18: {  	(v2sf) =	vpush v1, $0x0;
	_ =	sdelay $0xe  }
0x19: {  	s21 =	spop (v2sf)  }
0x1a: {  	s12 =	sand.u32 $0xF, s21  }
0x1b: {  	s13 =	sshra.s32 s21, $0x1F;
	p0 =	slt.s32 s21, $0x1;
	p1 =	sne.s32 s12, $0x0  }
0x1c: {  	s22 =	sshrl.u32 s13, $0x1C;
	p0 =	por !p0, !p1  }
0x1d: {  	s13 =	simm.s32 $0x1;
	s12 =	sadd.s32 s22, s21;
	p0 =	por !p0, !p0  }
0x1e: {  	s12 =	sshra.s32 s12, $0x4;
	s13 =	simm.s32 @!p0 $0x0  }
0x1f: {  	s12 =	ssub.s32 s12, s13  }
0x20: {  	s13 =	sshll.u32 s12, $0x7  }
0x21: {  	s12 =	sshll.u32 s12, $0x4;
	s13 =	sand.u32 $0xFFFFFC00, s13  }
0x22: {  	s14 =	sand.u32 $0x70, s12;
	s13 =	sadd.s32 s7, s13  }
0x23: {  	s13 =	sor.u32 s14, s13  }
0x24: {  	s13 =	sor.u32 s9, s13  }
0x25: {  	s13 =	sshrl.u32 s13, $0x3  }
0x26: {  	s13 =	sadd.s32 s3, s13  }
0x27: {  	[tilespmem:s8], [sflag:$0x1] =	stream.linear.gather [hbm4b:s13+s2], $0x10, $0x38;
	[tilespmem:$0x2100] =	vst v63  }
0x28: {  	_ =	swait.ge [sflag:s4], $0x10  }
0x29: {  	[sflag:s4] =	ssyncset.done $0x0  }
0x2a: {  	[sflag:s4] =	ssyncadd.s32 $0xFFFFFFF0  }
0x2b: {  	v1 =	vld [tilespmem:$0x2000];
	_ =	sdelay $0x1  }
0x2c: {  	s11 =	ssub.s32 s21, s12  }
0x2d: {  	v2 =	vmov s11  }
0x2e: {  	vm0 =	veq.s32 v2, v0  }
0x2f: {  	v1 =	vnsel vm0, $0xFF800000, v1  }
0x30: {  	s23 =	rddreg [dreg:$0x5];
	[tilespmem:$0x2080] =	vst v1  }
0x31: {  	[hbm4b:s23+s2] =	stream.linear.scatter [tilespmem:s6], [sflag:$0x1], $0x80, $0x38;
	[tilespmem:$0x2100] =	vst v63  }
0x32: {  	_ =	swait.ge [sflag:s4], $0x80  }
0x33: {  	[sflag:s4] =	ssyncset.done $0x0  }
0x34: {  	s24 =	rddreg [dreg:$0x6];
	[sflag:s4] =	ssyncadd.s32 $0xFFFFFF80  }
0x35: {  	v1 =	vld [tilespmem:s24+$0x0];
	_ =	sdelay $0x4  }
0x36: {  	(v2sf) =	vpush v1, $0x0;
	_ =	sdelay $0xe  }
0x37: {  	s25 =	spop (v2sf)  }
0x38: {  	s26 =	sand.u32 $0xF, s25  }
0x39: {  	s28 =	sshra.s32 s25, $0x1F;
	p5 =	slt.s32 s25, $0x1;
	p6 =	sne.s32 s26, $0x0  }
0x3a: {  	s29 =	sshrl.u32 s28, $0x1C;
	p0 =	por !p5, !p6  }
0x3b: {  	s13 =	simm.s32 $0x1;
	s12 =	sadd.s32 s29, s25;
	p0 =	por !p0, !p0  }
0x3c: {  	s12 =	sshra.s32 s12, $0x4;
	s13 =	simm.s32 @!p0 $0x0  }
0x3d: {  	s12 =	ssub.s32 s12, s13  }
0x3e: {  	s13 =	sshll.u32 s12, $0x7  }
0x3f: {  	s12 =	sshll.u32 s12, $0x4;
	s13 =	sand.u32 $0xFFFFFC00, s13  }
0x40: {  	s30 =	sand.u32 $0x70, s12;
	s13 =	sadd.s32 s7, s13  }
0x41: {  	s13 =	sor.u32 s30, s13  }
0x42: {  	s13 =	sor.u32 s5, s13  }
0x43: {  	s13 =	sshrl.u32 s13, $0x3  }
0x44: {  	s13 =	sadd.s32 s3, s13  }
0x45: {  	[tilespmem:s8], [sflag:$0x1] =	stream.linear.gather [hbm4b:s13+s2], $0x10, $0x38;
	[tilespmem:$0x2100] =	vst v63  }
0x46: {  	_ =	swait.ge [sflag:s4], $0x10  }
0x47: {  	[sflag:s4] =	ssyncset.done $0x0  }
0x48: {  	[sflag:s4] =	ssyncadd.s32 $0xFFFFFFF0  }
0x49: {  	v1 =	vld [tilespmem:$0x2000];
	_ =	sdelay $0x1  }
0x4a: {  	s11 =	ssub.s32 s25, s12  }
0x4b: {  	v2 =	vmov s11  }
0x4c: {  	p1 =	sne.s32 s10, $0x1;
	vm15 =	veq.s32 v2, v0  }
.Ltmp1:
0x4d: {  	v1 =	vnsel vm15, $0xFF800000, v1;
	(pc) =	sbr.rel @!p1 .LBB2_3-.Ltmp1, $4  }
0x4e: {  	s31 =	rddreg [dreg:$0x7];
	[tilespmem:$0x2080] =	vst v1  }
0x4f: {  	[hbm4b:s31+s2] =	stream.linear.scatter [tilespmem:s6], [sflag:$0x1], $0x80, $0x38;
	[tilespmem:$0x2100] =	vst v63  }
0x50: {  	s10 =	sadd.s32 $0xFFFFFFFF, s10;
	_ =	swait.ge [sflag:s4], $0x80  }
0x51: {  	p0 =	por $0x1, $0x1;
	s11 =	rddreg [dreg:$0x3];
	[sflag:s4] =	ssyncset.done $0x0  }
.LBB2_2:
0x52: {  	[sflag:s4] =	ssyncadd.s32 $0xFFFFFF80  }
0x53: {  	[tilespmem:s2], [sflag:$0x1] =	stream.linear.gather [hbm4b:s11+s2], $0x2000, $0x38;
	[tilespmem:$0x2100] =	vst v63  }
0x54: {  	_ =	swait.ge [sflag:s4], $0x2000  }
0x55: {  	[sflag:s4] =	ssyncset.done $0x0  }
0x56: {  	s21 =	rddreg [dreg:$0x4];
	[sflag:s4] =	ssyncadd.s32 $0xFFFFE000  }
0x57: {  	v1 =	vld [tilespmem:s21+$0x0];
	_ =	sdelay $0x4  }
0x58: {  	(v2sf) =	vpush v1, $0x0;
	_ =	sdelay $0xe  }
0x59: {  	s22 =	spop (v2sf)  }
0x5a: {  	s13 =	sand.u32 $0xF, s22  }
0x5b: {  	s12 =	sshra.s32 s22, $0x1F;
	p2 =	slt.s32 s22, $0x1;
	p3 =	sne.s32 s13, $0x0  }
0x5c: {  	s12 =	sshrl.u32 s12, $0x1C;
	p2 =	por !p2, !p3  }
0x5d: {  	s13 =	simm.s32 $0x1;
	s12 =	sadd.s32 s12, s22;
	p2 =	por !p2, !p2  }
0x5e: {  	s12 =	sshra.s32 s12, $0x4;
	s13 =	simm.s32 @!p2 $0x0  }
0x5f: {  	s12 =	ssub.s32 s12, s13  }
0x60: {  	s13 =	sshll.u32 s12, $0x7  }
0x61: {  	s12 =	sshll.u32 s12, $0x4;
	s13 =	sand.u32 $0xFFFFFC00, s13  }
0x62: {  	s11 =	ssub.s32 s22, s12;
	s12 =	sand.u32 $0x70, s12;
	s13 =	sadd.s32 s7, s13  }
0x63: {  	s23 =	sor.u32 s12, s13  }
0x64: {  	v1 =	vmov s11;
	s11 =	sor.u32 s9, s23  }
0x65: {  	s11 =	sshrl.u32 s11, $0x3  }
0x66: {  	s11 =	sadd.s32 s3, s11  }
0x67: {  	[tilespmem:s8], [sflag:$0x1] =	stream.linear.gather [hbm4b:s11+s2], $0x10, $0x38;
	[tilespmem:$0x2100] =	vst v63  }
0x68: {  	_ =	swait.ge [sflag:s4], $0x10  }
0x69: {  	[sflag:s4] =	ssyncset.done $0x0  }
0x6a: {  	[sflag:s4] =	ssyncadd.s32 $0xFFFFFFF0  }
0x6b: {  	v2 =	vld [tilespmem:$0x2000];
	_ =	sdelay $0x3  }
0x6c: {  	vm0 =	veq.s32 v1, v0  }
0x6d: {  	v1 =	vnsel vm0, $0xFF800000, v2  }
0x6e: {  	s24 =	rddreg [dreg:$0x5];
	[tilespmem:$0x2080] =	vst v1  }
0x6f: {  	[hbm4b:s24+s2] =	stream.linear.scatter [tilespmem:s6], [sflag:$0x1], $0x80, $0x38;
	[tilespmem:$0x2100] =	vst v63  }
0x70: {  	_ =	swait.ge [sflag:s4], $0x80  }
0x71: {  	[sflag:s4] =	ssyncset.done $0x0  }
0x72: {  	s25 =	rddreg [dreg:$0x6];
	[sflag:s4] =	ssyncadd.s32 $0xFFFFFF80  }
0x73: {  	v1 =	vld [tilespmem:s25+$0x0];
	_ =	sdelay $0x4  }
0x74: {  	(v2sf) =	vpush v1, $0x0;
	_ =	sdelay $0xe  }
0x75: {  	s26 =	spop (v2sf)  }
0x76: {  	s29 =	sand.u32 $0xF, s26  }
0x77: {  	s28 =	sshra.s32 s26, $0x1F;
	p5 =	slt.s32 s26, $0x1;
	p6 =	sne.s32 s29, $0x0  }
0x78: {  	s12 =	sshrl.u32 s28, $0x1C;
	p2 =	por !p5, !p6  }
0x79: {  	s13 =	simm.s32 $0x1;
	s12 =	sadd.s32 s12, s26;
	p2 =	por !p2, !p2  }
0x7a: {  	s12 =	sshra.s32 s12, $0x4;
	s13 =	simm.s32 @!p2 $0x0  }
0x7b: {  	s12 =	ssub.s32 s12, s13  }
0x7c: {  	s13 =	sshll.u32 s12, $0x7  }
0x7d: {  	s12 =	sshll.u32 s12, $0x4;
	s13 =	sand.u32 $0xFFFFFC00, s13  }
0x7e: {  	s11 =	ssub.s32 s26, s12;
	s12 =	sand.u32 $0x70, s12;
	s13 =	sadd.s32 s7, s13  }
0x7f: {  	s30 =	sor.u32 s12, s13  }
0x80: {  	v1 =	vmov s11;
	s11 =	sor.u32 s5, s30  }
0x81: {  	s11 =	sshrl.u32 s11, $0x3  }
0x82: {  	s11 =	sadd.s32 s3, s11  }
0x83: {  	[tilespmem:s8], [sflag:$0x1] =	stream.linear.gather [hbm4b:s11+s2], $0x10, $0x38;
	[tilespmem:$0x2100] =	vst v63  }
0x84: {  	_ =	swait.ge [sflag:s4], $0x10  }
0x85: {  	[sflag:s4] =	ssyncset.done $0x0  }
0x86: {  	[sflag:s4] =	ssyncadd.s32 $0xFFFFFFF0  }
0x87: {  	v2 =	vld [tilespmem:$0x2000];
	_ =	sdelay $0x3  }
0x88: {  	p1 =	sne.s32 s10, $0x1;
	vm15 =	veq.s32 v1, v0  }
.Ltmp2:
0x89: {  	v1 =	vnsel vm15, $0xFF800000, v2;
	(pc) =	sbr.rel @p1 .LBB2_2-.Ltmp2, $4  }
0x8a: {  	s31 =	rddreg [dreg:$0x7];
	[tilespmem:$0x2080] =	vst v1  }
0x8b: {  	[hbm4b:s31+s2] =	stream.linear.scatter [tilespmem:s6], [sflag:$0x1], $0x80, $0x38;
	[tilespmem:$0x2100] =	vst v63  }
0x8c: {  	_ =	swait.ge [sflag:s4], $0x80  }
0x8d: {  	s10 =	sadd.s32 $0xFFFFFFFF, s10;
	s11 =	rddreg [dreg:$0x3];
	[sflag:s4] =	ssyncset.done $0x0  }
.LBB2_3:
0x8e: {  	[sflag:s4] =	ssyncadd.s32 @p0 $0xFFFFFF80  }
0x8f: {  	[tilespmem:s2], [sflag:$0x1] =	stream.linear.gather [hbm4b:s11+s2], $0x2000, $0x38;
	[tilespmem:$0x2100] =	vst v63  }
0x90: {  	_ =	swait.ge [sflag:s4], $0x2000  }
0x91: {  	[sflag:s4] =	ssyncset.done $0x0  }
0x92: {  	s10 =	rddreg [dreg:$0x4];
	[sflag:s4] =	ssyncadd.s32 $0xFFFFE000  }
0x93: {  	v1 =	vld [tilespmem:s10+$0x0];
	_ =	sdelay $0x4  }
0x94: {  	(v2sf) =	vpush v1, $0x0;
	_ =	sdelay $0xe  }
0x95: {  	s16 =	spop (v2sf)  }
0x96: {  	s17 =	sand.u32 $0xF, s16  }
0x97: {  	s12 =	sshra.s32 s16, $0x1F;
	p4 =	slt.s32 s16, $0x1;
	p1 =	sne.s32 s17, $0x0  }
0x98: {  	s18 =	sshrl.u32 s12, $0x1C;
	p0 =	por !p4, !p1  }
0x99: {  	s12 =	simm.s32 $0x1;
	s11 =	sadd.s32 s18, s16;
	p0 =	por !p0, !p0  }
0x9a: {  	s11 =	sshra.s32 s11, $0x4;
	s12 =	simm.s32 @!p0 $0x0  }
0x9b: {  	s11 =	ssub.s32 s11, s12  }
0x9c: {  	s12 =	sshll.u32 s11, $0x7  }
0x9d: {  	s11 =	sshll.u32 s11, $0x4;
	s12 =	sand.u32 $0xFFFFFC00, s12  }
0x9e: {  	s13 =	sand.u32 $0x70, s11;
	s12 =	sadd.s32 s7, s12  }
0x9f: {  	s12 =	sor.u32 s13, s12  }
0xa0: {  	s9 =	sor.u32 s9, s12  }
0xa1: {  	s9 =	sshrl.u32 s9, $0x3  }
0xa2: {  	s9 =	sadd.s32 s3, s9  }
0xa3: {  	[tilespmem:s8], [sflag:$0x1] =	stream.linear.gather [hbm4b:s9+s2], $0x10, $0x38;
	[tilespmem:$0x2100] =	vst v63  }
0xa4: {  	_ =	swait.ge [sflag:s4], $0x10  }
0xa5: {  	[sflag:s4] =	ssyncset.done $0x0  }
0xa6: {  	[sflag:s4] =	ssyncadd.s32 $0xFFFFFFF0  }
0xa7: {  	v60 =	vld [tilespmem:$0x2000];
	_ =	sdelay $0x1  }
0xa8: {  	s19 =	ssub.s32 s16, s11  }
0xa9: {  	v2 =	vmov s19  }
0xaa: {  	vm0 =	veq.s32 v2, v0  }
0xab: {  	v1 =	vnsel vm0, $0xFF800000, v60  }
0xac: {  	s20 =	rddreg [dreg:$0x5];
	[tilespmem:$0x2080] =	vst v1  }
0xad: {  	[hbm4b:s20+s2] =	stream.linear.scatter [tilespmem:s6], [sflag:$0x1], $0x80, $0x38;
	[tilespmem:$0x2100] =	vst v63  }
0xae: {  	_ =	swait.ge [sflag:s4], $0x80  }
0xaf: {  	[sflag:s4] =	ssyncset.done $0x0  }
0xb0: {  	s21 =	rddreg [dreg:$0x6];
	[sflag:s4] =	ssyncadd.s32 $0xFFFFFF80  }
0xb1: {  	v61 =	vld [tilespmem:s21+$0x0];
	_ =	sdelay $0x4  }
0xb2: {  	(v2sf) =	vpush v61, $0x0;
	_ =	sdelay $0xe  }
0xb3: {  	s22 =	spop (v2sf)  }
0xb4: {  	s23 =	sand.u32 $0xF, s22  }
0xb5: {  	s24 =	sshra.s32 s22, $0x1F;
	p5 =	slt.s32 s22, $0x1;
	p6 =	sne.s32 s23, $0x0  }
0xb6: {  	s25 =	sshrl.u32 s24, $0x1C;
	p0 =	por !p5, !p6  }
0xb7: {  	s11 =	simm.s32 $0x1;
	s10 =	sadd.s32 s25, s22;
	p0 =	por !p0, !p0  }
0xb8: {  	s10 =	sshra.s32 s10, $0x4;
	s11 =	simm.s32 @!p0 $0x0  }
0xb9: {  	s10 =	ssub.s32 s10, s11  }
0xba: {  	s11 =	sshll.u32 s10, $0x7  }
0xbb: {  	s10 =	sshll.u32 s10, $0x4;
	s11 =	sand.u32 $0xFFFFFC00, s11  }
0xbc: {  	s28 =	sand.u32 $0x70, s10;
	s26 =	sadd.s32 s7, s11  }
0xbd: {  	s7 =	sor.u32 s28, s26  }
0xbe: {  	s5 =	sor.u32 s5, s7  }
0xbf: {  	s5 =	sshrl.u32 s5, $0x3  }
0xc0: {  	s29 =	sadd.s32 s3, s5  }
0xc1: {  	[tilespmem:s8], [sflag:$0x1] =	stream.linear.gather [hbm4b:s29+s2], $0x10, $0x38;
	[tilespmem:$0x2100] =	vst v63  }
0xc2: {  	_ =	swait.ge [sflag:s4], $0x10  }
0xc3: {  	[sflag:s4] =	ssyncset.done $0x0  }
0xc4: {  	[sflag:s4] =	ssyncadd.s32 $0xFFFFFFF0  }
0xc5: {  	v62 =	vld [tilespmem:$0x2000];
	_ =	sdelay $0x1  }
0xc6: {  	s30 =	ssub.s32 s22, s10  }
0xc7: {  	v63 =	vmov s30  }
0xc8: {  	vm15 =	veq.s32 v63, v0  }
0xc9: {  	v0 =	vnsel vm15, $0xFF800000, v62  }
0xca: {  	s31 =	rddreg [dreg:$0x7];
	[tilespmem:$0x2080] =	vst v0  }
0xcb: {  	[hbm4b:s31+s2] =	stream.linear.scatter [tilespmem:s6], [sflag:$0x1], $0x80, $0x38;
	[tilespmem:$0x2100] =	vst v63  }
0xcc: {  	_ =	swait.ge [sflag:s4], $0x80  }
0xcd: {  	[sflag:s4] =	ssyncset.done $0x0  }
0xce: {  	[sflag:s4] =	ssyncadd.s32 $0xFFFFFF80  }
0xcf: {  	_ =	sfence.sel $0x180000  }
0xd0: {  	[bflag:$0x0] =	sbarrier.arrive $0xFFFF  }
0xd1: {  	p0 =	sne.s32 s1, $0x0;
	_ =	strace $0x90000047  }
0xd2: {  	s0 =	sadd.s32 @!p0 $0x100000, s0;
	[bflag:$0x2] =	sbarrier.arrive $0xFFFF  }
0xd3: {  	[sflag:s0] =	ssyncadd.tile.s32 @!p0 $0x1;
	_ =	shalt  }
.Lfunc_end2:
_tile_overlayer_lowered:
.L_overlay_start_2:
0xd4: {  	(tag) =	ssettag $0x2  }
0xd5: {  	s0 =	rddreg [dreg:$0x0];
	s2 =	stileid.u32  }
0xd6: {  	s1 =	rddreg [dreg:$0x1];
	p0 =	sne.s32 s2, $0x0  }
0xd7: {  	s3 =	rddreg [dreg:$0x2];
	[bflag:$0x3] =	sbarrier.arrive $0xFFFF;
	s2 =	simm.s32 @!p0 $0x1C01  }
0xd8: {  	[timem:s3], [sflag:s2] =	dma.local @!p0 [hbm:s0], s1  }
0xd9: {  	s0 =	simm.s32 @!p0 $0x1  }
0xda: {  	_ =	swait.ge @!p0 [sflag:s0], s1  }
0xdb: {  	s1 =	ssub.s32 @!p0 $0x0, s1;
	[sflag:s0] =	ssyncset.done @!p0 $0x0  }
0xdc: {  	[sflag:s0] =	ssyncadd.s32 @!p0 s1  }
0xdd: {  	[bflag:$0x3] =	sbarrier.arrive $0xFFFF  }
0xde: {  	_ =	shalt  }

</sc_bundles>
